<compile_context>
chip_gen: v7x
topology: tpu7x:2x2x1
jax: 0.10.2.dev20260603
libtpu: 0.0.44.dev20260713+nightly
codegen_flags: <defaults>
</compile_context>

<pallas_src>
import functools

import jax
import jax.numpy as jnp
from jax import lax
from jax.experimental import pallas as pl
from jax.experimental.pallas import tpu as pltpu
from jax.experimental.pallas import tpu_sc as plsc

NC = 2
NS = 16
NW = NC * NS
C = 128
G = 2
S = C * G


@functools.partial(jax.jit, static_argnums=(2, 3))
def _gather_rows(table, idx2d, B, D):
    n_chunks = idx2d.shape[0]
    b_per_w = B // NW
    n_slots = b_per_w // S
    chunks_per_w = n_chunks // NW

    mesh = plsc.VectorSubcoreMesh(
        core_axis_name="c", subcore_axis_name="s",
        num_cores=NC, num_subcores=NS)

    @functools.partial(
        pl.kernel,
        out_type=jax.ShapeDtypeStruct((B, 2 * D), jnp.float32),
        mesh=mesh,
        scratch_types=[
            pltpu.VMEM((2, G, C), jnp.int32),
            pltpu.VMEM((2, S, 2 * D), jnp.float32),
            pltpu.SemaphoreType.DMA,
            pltpu.SemaphoreType.DMA,
            pltpu.SemaphoreType.DMA,
            pltpu.SemaphoreType.DMA,
        ],
        compiler_params=pltpu.CompilerParams(use_tc_tiling_on_sc=True,
                                             needs_layout_passes=False),
    )
    def k(table_hbm, idx_hbm, out_hbm, idx_v, rows_v, g0, g1, s0, s1):
        gsems = (g0, g1)
        ssems = (s0, s1)
        wid = lax.axis_index("s") * NC + lax.axis_index("c")
        base = wid * b_per_w
        chunk_base = wid * chunks_per_w

        def idx_load(j, b):
            pltpu.sync_copy(idx_hbm.at[pl.ds(chunk_base + j * G, G)],
                            idx_v.at[b])

        def fire_gathers(j, b):
            for g in range(G):
                pltpu.async_copy(table_hbm.at[idx_v.at[b, g]],
                                 rows_v.at[b, pl.ds(g * C, C)], gsems[b])

        def wait_gathers(j, b):
            for g in range(G):
                pltpu.make_async_copy(table_hbm.at[idx_v.at[b, g]],
                                      rows_v.at[b, pl.ds(g * C, C)],
                                      gsems[b]).wait()

        def fire_scatter(j, b):
            pltpu.async_copy(rows_v.at[b],
                             out_hbm.at[pl.ds(base + j * S, S)], ssems[b])

        def wait_scatter(j, b):
            pltpu.make_async_copy(rows_v.at[b],
                                  out_hbm.at[pl.ds(base + j * S, S)],
                                  ssems[b]).wait()

        idx_load(0, 0)
        fire_gathers(0, 0)

        @pl.loop(0, n_slots, step=2)
        def _slot(jo):
            for b in (0, 1):
                j = jo + b

                @pl.when(j + 1 < n_slots)
                def _():
                    idx_load(j + 1, 1 - b)

                    @pl.when(j >= 1)
                    def _():
                        wait_scatter(j - 1, 1 - b)

                    fire_gathers(j + 1, 1 - b)

                wait_gathers(j, b)
                fire_scatter(j, b)

        wait_scatter(n_slots - 2, 0)
        wait_scatter(n_slots - 1, 1)

    return k(table, idx2d)


def kernel(tokens, W_E):
    B0, T = tokens.shape
    V, D = W_E.shape
    B = B0 * T
    table_p = jnp.pad(W_E, ((0, 0), (0, 128 - D)))
    idx2d = tokens.reshape(B // C, C)
    out = _gather_rows(table_p, idx2d, B, D)
    return out.reshape(B0, T, 2 * D)[:, :, :D]

# --- scband reference (transcript-rebuilt; emitter-appended) ---
"""Pipeline reference for scband-embed-67559835566460 (READ-ONLY COPY).

The authoritative reference and input builder live on the scoring server;
editing this copy changes nothing except your own understanding.
"""

import jax, jax.numpy as jnp
import numpy as np

D_VOCAB = 1000000
D_RESIDUAL = 64
INIT_RANGE = 0.02

def setup_inputs(seed: int = 0) -> dict:
    key = jax.random.key(seed)
    k_tok, k_w = jax.random.split(key)
    tokens = jax.random.randint(k_tok, (16384, 200), 0, D_VOCAB, dtype=jnp.int64 if jax.config.jax_enable_x64 else jnp.int32)
    W_E = jax.random.normal(k_w, (D_VOCAB, D_RESIDUAL), dtype=jnp.float32) * INIT_RANGE
    return {"tokens": tokens, "W_E": W_E}

def reference(tokens, W_E):
    # embed = self.W_E[tokens, :]
    embed = jnp.take(W_E, tokens, axis=0)
    return embed

if __name__ == "__main__":
    import jax
    _d = setup_inputs()
    print(jax.jit(kernel)(*tuple(_d.values())))

</pallas_src>

<mosaic_0001>
#map = affine_map<(d0, d1) -> (0, 0)>
module attributes {stable_mosaic.version = 14 : i64} {
  func.func @k(%arg0: i32, %arg1: i32, %arg2: memref<1000000x128xf32, #tpu.memory_space<hbm>>, %arg3: memref<25600x128xi32, #tpu.memory_space<hbm>>, %arg4: memref<3276800x128xf32, #tpu.memory_space<hbm>>, %arg5: memref<2x2x128xi32, #tpu.memory_space<vmem>>, %arg6: memref<2x256x128xf32, #tpu.memory_space<vmem>>, %arg7: memref<!tpu.dma_semaphore, #tpu.memory_space<semaphore_mem>>, %arg8: memref<!tpu.dma_semaphore, #tpu.memory_space<semaphore_mem>>, %arg9: memref<!tpu.dma_semaphore, #tpu.memory_space<semaphore_mem>>, %arg10: memref<!tpu.dma_semaphore, #tpu.memory_space<semaphore_mem>>) attributes {dimension_semantics = [#tpu.dimension_semantics<core_parallel>, #tpu.dimension_semantics<subcore_parallel>], iteration_bounds = array<i64: 2, 16>, scalar_prefetch = 0 : i64, scratch_operands = 6 : i64, tpu.core_type = #tpu.core_type<sc_vector_subcore>, window_params = [{transform_indices = #map}, {transform_indices = #map}, {transform_indices = #map}]} {
    %mul3A = arith.constant 2 : i32
    %mul3A_0 = arith.muli %arg1, %mul3A : i32
    %add3A = arith.addi %mul3A_0, %arg0 : i32
    %mul3A_1 = arith.constant 102400 : i32
    %mul3A_2 = arith.muli %add3A, %mul3A_1 : i32
    %mul3A_3 = arith.constant 800 : i32
    %mul3A_4 = arith.muli %add3A, %mul3A_3 : i32
    %add3A_5 = arith.constant 0 : i32
    %add3A_6 = arith.addi %mul3A_4, %add3A_5 : i32
    %run_scoped3A = arith.constant 0 : i32
    "tpu.region"() ({
      %run_scoped3A_65 = tpu.sem_alloc : memref<!tpu.dma_semaphore, #tpu.memory_space<semaphore_mem>>
      %dma_start3A_66 = arith.constant 0 : i32
      %dma_start3A_67 = arith.constant 0 : i32
      %dma_start3A_68 = tpu.memref_slice %arg5[%run_scoped3A, %dma_start3A_66, %dma_start3A_67] : memref<2x2x128xi32, #tpu.memory_space<vmem>> -> memref<1x2x128xi32, #tpu.memory_space<vmem>>
      %dma_start3A_69 = tpu.memref_squeeze %dma_start3A_68 : memref<1x2x128xi32, #tpu.memory_space<vmem>> -> memref<2x128xi32, #tpu.memory_space<vmem>>
      %dma_start3A_70 = arith.constant 0 : i32
      %dma_start3A_71 = tpu.memref_slice %arg3[%add3A_6, %dma_start3A_70] : memref<25600x128xi32, #tpu.memory_space<hbm>> -> memref<2x128xi32, #tpu.memory_space<hbm>>
      %dma_start3A_72 = arith.constant 0 : i32
      %dma_start3A_73 = arith.constant 0 : i32
      %dma_start3A_74 = tpu.memref_slice %arg5[%run_scoped3A, %dma_start3A_72, %dma_start3A_73] : memref<2x2x128xi32, #tpu.memory_space<vmem>> -> memref<1x2x128xi32, #tpu.memory_space<vmem>>
      %dma_start3A_75 = tpu.memref_squeeze %dma_start3A_74 : memref<1x2x128xi32, #tpu.memory_space<vmem>> -> memref<2x128xi32, #tpu.memory_space<vmem>>
      %dma_start3A_76 = arith.constant 0 : i32
      %dma_start3A_77 = tpu.memref_slice %arg3[%add3A_6, %dma_start3A_76] : memref<25600x128xi32, #tpu.memory_space<hbm>> -> memref<2x128xi32, #tpu.memory_space<hbm>>
      tpu.enqueue_dma source(%dma_start3A_77 : memref<2x128xi32, #tpu.memory_space<hbm>>) target(%dma_start3A_75 : memref<2x128xi32, #tpu.memory_space<vmem>>) target_semaphore(%run_scoped3A_65 : memref<!tpu.dma_semaphore, #tpu.memory_space<semaphore_mem>>)
      %dma_wait3A_78 = arith.constant 0 : i32
      %dma_wait3A_79 = arith.constant 0 : i32
      %dma_wait3A_80 = tpu.memref_slice %arg5[%run_scoped3A, %dma_wait3A_78, %dma_wait3A_79] : memref<2x2x128xi32, #tpu.memory_space<vmem>> -> memref<1x2x128xi32, #tpu.memory_space<vmem>>
      %dma_wait3A_81 = tpu.memref_squeeze %dma_wait3A_80 : memref<1x2x128xi32, #tpu.memory_space<vmem>> -> memref<2x128xi32, #tpu.memory_space<vmem>>
      %dma_wait3A_82 = arith.constant 0 : i32
      %dma_wait3A_83 = tpu.memref_slice %arg3[%add3A_6, %dma_wait3A_82] : memref<25600x128xi32, #tpu.memory_space<hbm>> -> memref<2x128xi32, #tpu.memory_space<hbm>>
      %dma_wait3A_84 = arith.constant 0 : i32
      %dma_wait3A_85 = arith.constant 0 : i32
      %dma_wait3A_86 = tpu.memref_slice %arg5[%run_scoped3A, %dma_wait3A_84, %dma_wait3A_85] : memref<2x2x128xi32, #tpu.memory_space<vmem>> -> memref<1x2x128xi32, #tpu.memory_space<vmem>>
      %dma_wait3A_87 = tpu.memref_squeeze %dma_wait3A_86 : memref<1x2x128xi32, #tpu.memory_space<vmem>> -> memref<2x128xi32, #tpu.memory_space<vmem>>
      %dma_wait3A_88 = arith.constant 0 : i32
      %dma_wait3A_89 = tpu.memref_slice %arg3[%add3A_6, %dma_wait3A_88] : memref<25600x128xi32, #tpu.memory_space<hbm>> -> memref<2x128xi32, #tpu.memory_space<hbm>>
      tpu.wait_dma2 semaphore(%run_scoped3A_65 : memref<!tpu.dma_semaphore, #tpu.memory_space<semaphore_mem>>) src(%dma_wait3A_89 : memref<2x128xi32, #tpu.memory_space<hbm>>) dst(%dma_wait3A_87 : memref<2x128xi32, #tpu.memory_space<vmem>>)
      tpu.yield
    }) : () -> ()
    %dma_start3A = arith.constant 0 : i32
    %dma_start3A_7 = arith.constant 0 : i32
    %dma_start3A_8 = arith.constant 0 : i32
    %dma_start3A_9 = arith.constant 0 : i32
    %dma_start3A_10 = arith.constant 0 : i32
    %dma_start3A_11 = tpu.memref_slice %arg6[%dma_start3A_8, %dma_start3A_9, %dma_start3A_10] : memref<2x256x128xf32, #tpu.memory_space<vmem>> -> memref<1x128x128xf32, #tpu.memory_space<vmem>>
    %dma_start3A_12 = tpu.memref_squeeze %dma_start3A_11 : memref<1x128x128xf32, #tpu.memory_space<vmem>> -> memref<128x128xf32, #tpu.memory_space<vmem>>
    %dma_start3A_13 = arith.constant 0 : i32
    %dma_start3A_14 = tpu.memref_slice %arg5[%dma_start3A, %dma_start3A_7, %dma_start3A_13] : memref<2x2x128xi32, #tpu.memory_space<vmem>> -> memref<1x1x128xi32, #tpu.memory_space<vmem>>
    %dma_start3A_15 = tpu.memref_squeeze %dma_start3A_14 : memref<1x1x128xi32, #tpu.memory_space<vmem>> -> memref<128xi32, #tpu.memory_space<vmem>>
    %dma_start3A_16 = arith.constant 0 : i32
    %dma_start3A_17 = arith.constant 0 : i32
    %dma_start3A_18 = tpu.memref_slice %arg2[%dma_start3A_16, %dma_start3A_17] : memref<1000000x128xf32, #tpu.memory_space<hbm>> -> memref<1000000x128xf32, #tpu.memory_space<hbm>>
    tpu.enqueue_indirect_dma source(%dma_start3A_18 : memref<1000000x128xf32, #tpu.memory_space<hbm>>) target(%dma_start3A_12 : memref<128x128xf32, #tpu.memory_space<vmem>>) offsets(%dma_start3A_15 : memref<128xi32, #tpu.memory_space<vmem>>) semaphore(%arg7 : memref<!tpu.dma_semaphore, #tpu.memory_space<semaphore_mem>>)
    %dma_start3A_19 = arith.constant 0 : i32
    %dma_start3A_20 = arith.constant 1 : i32
    %dma_start3A_21 = arith.constant 0 : i32
    %dma_start3A_22 = arith.constant 128 : i32
    %dma_start3A_23 = arith.constant 0 : i32
    %dma_start3A_24 = tpu.memref_slice %arg6[%dma_start3A_21, %dma_start3A_22, %dma_start3A_23] : memref<2x256x128xf32, #tpu.memory_space<vmem>> -> memref<1x128x128xf32, #tpu.memory_space<vmem>>
    %dma_start3A_25 = tpu.memref_squeeze %dma_start3A_24 : memref<1x128x128xf32, #tpu.memory_space<vmem>> -> memref<128x128xf32, #tpu.memory_space<vmem>>
    %dma_start3A_26 = arith.constant 0 : i32
    %dma_start3A_27 = tpu.memref_slice %arg5[%dma_start3A_19, %dma_start3A_20, %dma_start3A_26] : memref<2x2x128xi32, #tpu.memory_space<vmem>> -> memref<1x1x128xi32, #tpu.memory_space<vmem>>
    %dma_start3A_28 = tpu.memref_squeeze %dma_start3A_27 : memref<1x1x128xi32, #tpu.memory_space<vmem>> -> memref<128xi32, #tpu.memory_space<vmem>>
    %dma_start3A_29 = arith.constant 0 : i32
    %dma_start3A_30 = arith.constant 0 : i32
    %dma_start3A_31 = tpu.memref_slice %arg2[%dma_start3A_29, %dma_start3A_30] : memref<1000000x128xf32, #tpu.memory_space<hbm>> -> memref<1000000x128xf32, #tpu.memory_space<hbm>>
    tpu.enqueue_indirect_dma source(%dma_start3A_31 : memref<1000000x128xf32, #tpu.memory_space<hbm>>) target(%dma_start3A_25 : memref<128x128xf32, #tpu.memory_space<vmem>>) offsets(%dma_start3A_28 : memref<128xi32, #tpu.memory_space<vmem>>) semaphore(%arg7 : memref<!tpu.dma_semaphore, #tpu.memory_space<semaphore_mem>>)
    %scan3A = arith.constant 0 : i32
    %scan3A_32 = arith.constant 200 : i32
    %scan3A_33 = arith.addi %scan3A, %scan3A_32 : i32
    %scan3A_34 = arith.constant 1 : i32
    scf.for %scan3A_65 = %scan3A to %scan3A_33 step %scan3A_34  : i32 {
      %mul3A_66 = arith.constant 2 : i32
      %mul3A_67 = arith.muli %scan3A_65, %mul3A_66 : i32
      %add3A_68 = arith.constant 0 : i32
      %add3A_69 = arith.addi %add3A_68, %mul3A_67 : i32
      %add3A_70 = arith.constant 0 : i32
      %add3A_71 = arith.addi %add3A_69, %add3A_70 : i32
      %add3A_72 = arith.constant 1 : i32
      %add3A_73 = arith.addi %add3A_71, %add3A_72 : i32
      %lt3A = arith.constant 400 : i32
      %lt3A_74 = arith.cmpi slt, %add3A_73, %lt3A : i32
      %convert_element_type3A = arith.extui %lt3A_74 : i1 to i32
      %cond3A = arith.constant 0 : i32
      %cond3A_75 = arith.cmpi ne, %convert_element_type3A, %cond3A : i32
      scf.if %cond3A_75 {
        %add3A_169 = arith.constant 1 : i32
        %add3A_170 = arith.addi %add3A_71, %add3A_169 : i32
        %mul3A_171 = arith.constant 2 : i32
        %mul3A_172 = arith.muli %add3A_170, %mul3A_171 : i32
        %add3A_173 = arith.addi %mul3A_4, %mul3A_172 : i32
        %run_scoped3A_174 = arith.constant 1 : i32
        "tpu.region"() ({
          %run_scoped3A_207 = tpu.sem_alloc : memref<!tpu.dma_semaphore, #tpu.memory_space<semaphore_mem>>
          %dma_start3A_208 = arith.constant 0 : i32
          %dma_start3A_209 = arith.constant 0 : i32
          %dma_start3A_210 = tpu.memref_slice %arg5[%run_scoped3A_174, %dma_start3A_208, %dma_start3A_209] : memref<2x2x128xi32, #tpu.memory_space<vmem>> -> memref<1x2x128xi32, #tpu.memory_space<vmem>>
          %dma_start3A_211 = tpu.memref_squeeze %dma_start3A_210 : memref<1x2x128xi32, #tpu.memory_space<vmem>> -> memref<2x128xi32, #tpu.memory_space<vmem>>
          %dma_start3A_212 = arith.constant 0 : i32
          %dma_start3A_213 = tpu.memref_slice %arg3[%add3A_173, %dma_start3A_212] : memref<25600x128xi32, #tpu.memory_space<hbm>> -> memref<2x128xi32, #tpu.memory_space<hbm>>
          %dma_start3A_214 = arith.constant 0 : i32
          %dma_start3A_215 = arith.constant 0 : i32
          %dma_start3A_216 = tpu.memref_slice %arg5[%run_scoped3A_174, %dma_start3A_214, %dma_start3A_215] : memref<2x2x128xi32, #tpu.memory_space<vmem>> -> memref<1x2x128xi32, #tpu.memory_space<vmem>>
          %dma_start3A_217 = tpu.memref_squeeze %dma_start3A_216 : memref<1x2x128xi32, #tpu.memory_space<vmem>> -> memref<2x128xi32, #tpu.memory_space<vmem>>
          %dma_start3A_218 = arith.constant 0 : i32
          %dma_start3A_219 = tpu.memref_slice %arg3[%add3A_173, %dma_start3A_218] : memref<25600x128xi32, #tpu.memory_space<hbm>> -> memref<2x128xi32, #tpu.memory_space<hbm>>
          tpu.enqueue_dma source(%dma_start3A_219 : memref<2x128xi32, #tpu.memory_space<hbm>>) target(%dma_start3A_217 : memref<2x128xi32, #tpu.memory_space<vmem>>) target_semaphore(%run_scoped3A_207 : memref<!tpu.dma_semaphore, #tpu.memory_space<semaphore_mem>>)
          %dma_wait3A_220 = arith.constant 0 : i32
          %dma_wait3A_221 = arith.constant 0 : i32
          %dma_wait3A_222 = tpu.memref_slice %arg5[%run_scoped3A_174, %dma_wait3A_220, %dma_wait3A_221] : memref<2x2x128xi32, #tpu.memory_space<vmem>> -> memref<1x2x128xi32, #tpu.memory_space<vmem>>
          %dma_wait3A_223 = tpu.memref_squeeze %dma_wait3A_222 : memref<1x2x128xi32, #tpu.memory_space<vmem>> -> memref<2x128xi32, #tpu.memory_space<vmem>>
          %dma_wait3A_224 = arith.constant 0 : i32
          %dma_wait3A_225 = tpu.memref_slice %arg3[%add3A_173, %dma_wait3A_224] : memref<25600x128xi32, #tpu.memory_space<hbm>> -> memref<2x128xi32, #tpu.memory_space<hbm>>
          %dma_wait3A_226 = arith.constant 0 : i32
          %dma_wait3A_227 = arith.constant 0 : i32
          %dma_wait3A_228 = tpu.memref_slice %arg5[%run_scoped3A_174, %dma_wait3A_226, %dma_wait3A_227] : memref<2x2x128xi32, #tpu.memory_space<vmem>> -> memref<1x2x128xi32, #tpu.memory_space<vmem>>
          %dma_wait3A_229 = tpu.memref_squeeze %dma_wait3A_228 : memref<1x2x128xi32, #tpu.memory_space<vmem>> -> memref<2x128xi32, #tpu.memory_space<vmem>>
          %dma_wait3A_230 = arith.constant 0 : i32
          %dma_wait3A_231 = tpu.memref_slice %arg3[%add3A_173, %dma_wait3A_230] : memref<25600x128xi32, #tpu.memory_space<hbm>> -> memref<2x128xi32, #tpu.memory_space<hbm>>
          tpu.wait_dma2 semaphore(%run_scoped3A_207 : memref<!tpu.dma_semaphore, #tpu.memory_space<semaphore_mem>>) src(%dma_wait3A_231 : memref<2x128xi32, #tpu.memory_space<hbm>>) dst(%dma_wait3A_229 : memref<2x128xi32, #tpu.memory_space<vmem>>)
          tpu.yield
        }) : () -> ()
        %ge3A = arith.constant 1 : i32
        %ge3A_175 = arith.cmpi sge, %add3A_71, %ge3A : i32
        %convert_element_type3A_176 = arith.extui %ge3A_175 : i1 to i32
        %cond3A_177 = arith.constant 0 : i32
        %cond3A_178 = arith.cmpi ne, %convert_element_type3A_176, %cond3A_177 : i32
        scf.if %cond3A_178 {
          %sub3A = arith.constant 1 : i32
          %sub3A_207 = arith.subi %add3A_71, %sub3A : i32
          %mul3A_208 = arith.constant 256 : i32
          %mul3A_209 = arith.muli %sub3A_207, %mul3A_208 : i32
          %add3A_210 = arith.addi %mul3A_2, %mul3A_209 : i32
          %dma_wait3A_211 = arith.constant 1 : i32
          %dma_wait3A_212 = arith.constant 0 : i32
          %dma_wait3A_213 = arith.constant 0 : i32
          %dma_wait3A_214 = tpu.memref_slice %arg6[%dma_wait3A_211, %dma_wait3A_212, %dma_wait3A_213] : memref<2x256x128xf32, #tpu.memory_space<vmem>> -> memref<1x256x128xf32, #tpu.memory_space<vmem>>
          %dma_wait3A_215 = tpu.memref_squeeze %dma_wait3A_214 : memref<1x256x128xf32, #tpu.memory_space<vmem>> -> memref<256x128xf32, #tpu.memory_space<vmem>>
          %dma_wait3A_216 = arith.constant 0 : i32
          %dma_wait3A_217 = tpu.memref_slice %arg4[%add3A_210, %dma_wait3A_216] : memref<3276800x128xf32, #tpu.memory_space<hbm>> -> memref<256x128xf32, #tpu.memory_space<hbm>>
          %dma_wait3A_218 = arith.constant 0 : i32
          %dma_wait3A_219 = tpu.memref_slice %arg4[%add3A_210, %dma_wait3A_218] : memref<3276800x128xf32, #tpu.memory_space<hbm>> -> memref<256x128xf32, #tpu.memory_space<hbm>>
          %dma_wait3A_220 = arith.constant 0 : i32
          %dma_wait3A_221 = arith.constant 0 : i32
          %dma_wait3A_222 = tpu.memref_slice %arg6[%dma_wait3A_211, %dma_wait3A_220, %dma_wait3A_221] : memref<2x256x128xf32, #tpu.memory_space<vmem>> -> memref<1x256x128xf32, #tpu.memory_space<vmem>>
          %dma_wait3A_223 = tpu.memref_squeeze %dma_wait3A_222 : memref<1x256x128xf32, #tpu.memory_space<vmem>> -> memref<256x128xf32, #tpu.memory_space<vmem>>
          tpu.wait_dma2 semaphore(%arg10 : memref<!tpu.dma_semaphore, #tpu.memory_space<semaphore_mem>>) src(%dma_wait3A_223 : memref<256x128xf32, #tpu.memory_space<vmem>>) dst(%dma_wait3A_219 : memref<256x128xf32, #tpu.memory_space<hbm>>)
        } else {
        }
        %add3A_179 = arith.constant 1 : i32
        %add3A_180 = arith.addi %add3A_71, %add3A_179 : i32
        %dma_start3A_181 = arith.constant 1 : i32
        %dma_start3A_182 = arith.constant 0 : i32
        %dma_start3A_183 = arith.constant 1 : i32
        %dma_start3A_184 = arith.constant 0 : i32
        %dma_start3A_185 = arith.constant 0 : i32
        %dma_start3A_186 = tpu.memref_slice %arg6[%dma_start3A_183, %dma_start3A_184, %dma_start3A_185] : memref<2x256x128xf32, #tpu.memory_space<vmem>> -> memref<1x128x128xf32, #tpu.memory_space<vmem>>
        %dma_start3A_187 = tpu.memref_squeeze %dma_start3A_186 : memref<1x128x128xf32, #tpu.memory_space<vmem>> -> memref<128x128xf32, #tpu.memory_space<vmem>>
        %dma_start3A_188 = arith.constant 0 : i32
        %dma_start3A_189 = tpu.memref_slice %arg5[%dma_start3A_181, %dma_start3A_182, %dma_start3A_188] : memref<2x2x128xi32, #tpu.memory_space<vmem>> -> memref<1x1x128xi32, #tpu.memory_space<vmem>>
        %dma_start3A_190 = tpu.memref_squeeze %dma_start3A_189 : memref<1x1x128xi32, #tpu.memory_space<vmem>> -> memref<128xi32, #tpu.memory_space<vmem>>
        %dma_start3A_191 = arith.constant 0 : i32
        %dma_start3A_192 = arith.constant 0 : i32
        %dma_start3A_193 = tpu.memref_slice %arg2[%dma_start3A_191, %dma_start3A_192] : memref<1000000x128xf32, #tpu.memory_space<hbm>> -> memref<1000000x128xf32, #tpu.memory_space<hbm>>
        tpu.enqueue_indirect_dma source(%dma_start3A_193 : memref<1000000x128xf32, #tpu.memory_space<hbm>>) target(%dma_start3A_187 : memref<128x128xf32, #tpu.memory_space<vmem>>) offsets(%dma_start3A_190 : memref<128xi32, #tpu.memory_space<vmem>>) semaphore(%arg8 : memref<!tpu.dma_semaphore, #tpu.memory_space<semaphore_mem>>)
        %dma_start3A_194 = arith.constant 1 : i32
        %dma_start3A_195 = arith.constant 1 : i32
        %dma_start3A_196 = arith.constant 1 : i32
        %dma_start3A_197 = arith.constant 128 : i32
        %dma_start3A_198 = arith.constant 0 : i32
        %dma_start3A_199 = tpu.memref_slice %arg6[%dma_start3A_196, %dma_start3A_197, %dma_start3A_198] : memref<2x256x128xf32, #tpu.memory_space<vmem>> -> memref<1x128x128xf32, #tpu.memory_space<vmem>>
        %dma_start3A_200 = tpu.memref_squeeze %dma_start3A_199 : memref<1x128x128xf32, #tpu.memory_space<vmem>> -> memref<128x128xf32, #tpu.memory_space<vmem>>
        %dma_start3A_201 = arith.constant 0 : i32
        %dma_start3A_202 = tpu.memref_slice %arg5[%dma_start3A_194, %dma_start3A_195, %dma_start3A_201] : memref<2x2x128xi32, #tpu.memory_space<vmem>> -> memref<1x1x128xi32, #tpu.memory_space<vmem>>
        %dma_start3A_203 = tpu.memref_squeeze %dma_start3A_202 : memref<1x1x128xi32, #tpu.memory_space<vmem>> -> memref<128xi32, #tpu.memory_space<vmem>>
        %dma_start3A_204 = arith.constant 0 : i32
        %dma_start3A_205 = arith.constant 0 : i32
        %dma_start3A_206 = tpu.memref_slice %arg2[%dma_start3A_204, %dma_start3A_205] : memref<1000000x128xf32, #tpu.memory_space<hbm>> -> memref<1000000x128xf32, #tpu.memory_space<hbm>>
        tpu.enqueue_indirect_dma source(%dma_start3A_206 : memref<1000000x128xf32, #tpu.memory_space<hbm>>) target(%dma_start3A_200 : memref<128x128xf32, #tpu.memory_space<vmem>>) offsets(%dma_start3A_203 : memref<128xi32, #tpu.memory_space<vmem>>) semaphore(%arg8 : memref<!tpu.dma_semaphore, #tpu.memory_space<semaphore_mem>>)
      } else {
      }
      %dma_wait3A_76 = arith.constant 0 : i32
      %dma_wait3A_77 = arith.constant 0 : i32
      %dma_wait3A_78 = arith.constant 0 : i32
      %dma_wait3A_79 = arith.constant 0 : i32
      %dma_wait3A_80 = arith.constant 0 : i32
      %dma_wait3A_81 = tpu.memref_slice %arg6[%dma_wait3A_78, %dma_wait3A_79, %dma_wait3A_80] : memref<2x256x128xf32, #tpu.memory_space<vmem>> -> memref<1x128x128xf32, #tpu.memory_space<vmem>>
      %dma_wait3A_82 = tpu.memref_squeeze %dma_wait3A_81 : memref<1x128x128xf32, #tpu.memory_space<vmem>> -> memref<128x128xf32, #tpu.memory_space<vmem>>
      %dma_wait3A_83 = arith.constant 0 : i32
      %dma_wait3A_84 = tpu.memref_slice %arg5[%dma_wait3A_76, %dma_wait3A_77, %dma_wait3A_83] : memref<2x2x128xi32, #tpu.memory_space<vmem>> -> memref<1x1x128xi32, #tpu.memory_space<vmem>>
      %dma_wait3A_85 = tpu.memref_squeeze %dma_wait3A_84 : memref<1x1x128xi32, #tpu.memory_space<vmem>> -> memref<128xi32, #tpu.memory_space<vmem>>
      %dma_wait3A_86 = arith.constant 0 : i32
      %dma_wait3A_87 = arith.constant 0 : i32
      %dma_wait3A_88 = tpu.memref_slice %arg2[%dma_wait3A_86, %dma_wait3A_87] : memref<1000000x128xf32, #tpu.memory_space<hbm>> -> memref<1000000x128xf32, #tpu.memory_space<hbm>>
      tpu.wait_indirect_dma semaphore(%arg7 : memref<!tpu.dma_semaphore, #tpu.memory_space<semaphore_mem>>) src(%dma_wait3A_88 : memref<1000000x128xf32, #tpu.memory_space<hbm>>) dst(%dma_wait3A_82 : memref<128x128xf32, #tpu.memory_space<vmem>>)
      %dma_wait3A_89 = arith.constant 0 : i32
      %dma_wait3A_90 = arith.constant 1 : i32
      %dma_wait3A_91 = arith.constant 0 : i32
      %dma_wait3A_92 = arith.constant 128 : i32
      %dma_wait3A_93 = arith.constant 0 : i32
      %dma_wait3A_94 = tpu.memref_slice %arg6[%dma_wait3A_91, %dma_wait3A_92, %dma_wait3A_93] : memref<2x256x128xf32, #tpu.memory_space<vmem>> -> memref<1x128x128xf32, #tpu.memory_space<vmem>>
      %dma_wait3A_95 = tpu.memref_squeeze %dma_wait3A_94 : memref<1x128x128xf32, #tpu.memory_space<vmem>> -> memref<128x128xf32, #tpu.memory_space<vmem>>
      %dma_wait3A_96 = arith.constant 0 : i32
      %dma_wait3A_97 = tpu.memref_slice %arg5[%dma_wait3A_89, %dma_wait3A_90, %dma_wait3A_96] : memref<2x2x128xi32, #tpu.memory_space<vmem>> -> memref<1x1x128xi32, #tpu.memory_space<vmem>>
      %dma_wait3A_98 = tpu.memref_squeeze %dma_wait3A_97 : memref<1x1x128xi32, #tpu.memory_space<vmem>> -> memref<128xi32, #tpu.memory_space<vmem>>
      %dma_wait3A_99 = arith.constant 0 : i32
      %dma_wait3A_100 = arith.constant 0 : i32
      %dma_wait3A_101 = tpu.memref_slice %arg2[%dma_wait3A_99, %dma_wait3A_100] : memref<1000000x128xf32, #tpu.memory_space<hbm>> -> memref<1000000x128xf32, #tpu.memory_space<hbm>>
      tpu.wait_indirect_dma semaphore(%arg7 : memref<!tpu.dma_semaphore, #tpu.memory_space<semaphore_mem>>) src(%dma_wait3A_101 : memref<1000000x128xf32, #tpu.memory_space<hbm>>) dst(%dma_wait3A_95 : memref<128x128xf32, #tpu.memory_space<vmem>>)
      %mul3A_102 = arith.constant 256 : i32
      %mul3A_103 = arith.muli %add3A_71, %mul3A_102 : i32
      %add3A_104 = arith.addi %mul3A_2, %mul3A_103 : i32
      %dma_start3A_105 = arith.constant 0 : i32
      %dma_start3A_106 = arith.constant 0 : i32
      %dma_start3A_107 = arith.constant 0 : i32
      %dma_start3A_108 = tpu.memref_slice %arg6[%dma_start3A_105, %dma_start3A_106, %dma_start3A_107] : memref<2x256x128xf32, #tpu.memory_space<vmem>> -> memref<1x256x128xf32, #tpu.memory_space<vmem>>
      %dma_start3A_109 = tpu.memref_squeeze %dma_start3A_108 : memref<1x256x128xf32, #tpu.memory_space<vmem>> -> memref<256x128xf32, #tpu.memory_space<vmem>>
      %dma_start3A_110 = arith.constant 0 : i32
      %dma_start3A_111 = tpu.memref_slice %arg4[%add3A_104, %dma_start3A_110] : memref<3276800x128xf32, #tpu.memory_space<hbm>> -> memref<256x128xf32, #tpu.memory_space<hbm>>
      %dma_start3A_112 = arith.constant 0 : i32
      %dma_start3A_113 = tpu.memref_slice %arg4[%add3A_104, %dma_start3A_112] : memref<3276800x128xf32, #tpu.memory_space<hbm>> -> memref<256x128xf32, #tpu.memory_space<hbm>>
      %dma_start3A_114 = arith.constant 0 : i32
      %dma_start3A_115 = arith.constant 0 : i32
      %dma_start3A_116 = tpu.memref_slice %arg6[%dma_start3A_105, %dma_start3A_114, %dma_start3A_115] : memref<2x256x128xf32, #tpu.memory_space<vmem>> -> memref<1x256x128xf32, #tpu.memory_space<vmem>>
      %dma_start3A_117 = tpu.memref_squeeze %dma_start3A_116 : memref<1x256x128xf32, #tpu.memory_space<vmem>> -> memref<256x128xf32, #tpu.memory_space<vmem>>
      tpu.enqueue_dma source(%dma_start3A_117 : memref<256x128xf32, #tpu.memory_space<vmem>>) target(%dma_start3A_113 : memref<256x128xf32, #tpu.memory_space<hbm>>) target_semaphore(%arg9 : memref<!tpu.dma_semaphore, #tpu.memory_space<semaphore_mem>>)
      %add3A_118 = arith.constant 1 : i32
      %add3A_119 = arith.addi %add3A_69, %add3A_118 : i32
      %add3A_120 = arith.constant 1 : i32
      %add3A_121 = arith.addi %add3A_119, %add3A_120 : i32
      %lt3A_122 = arith.constant 400 : i32
      %lt3A_123 = arith.cmpi slt, %add3A_121, %lt3A_122 : i32
      %convert_element_type3A_124 = arith.extui %lt3A_123 : i1 to i32
      %cond3A_125 = arith.constant 0 : i32
      %cond3A_126 = arith.cmpi ne, %convert_element_type3A_124, %cond3A_125 : i32
      scf.if %cond3A_126 {
        %add3A_169 = arith.constant 1 : i32
        %add3A_170 = arith.addi %add3A_119, %add3A_169 : i32
        %mul3A_171 = arith.constant 2 : i32
        %mul3A_172 = arith.muli %add3A_170, %mul3A_171 : i32
        %add3A_173 = arith.addi %mul3A_4, %mul3A_172 : i32
        %run_scoped3A_174 = arith.constant 0 : i32
        "tpu.region"() ({
          %run_scoped3A_207 = tpu.sem_alloc : memref<!tpu.dma_semaphore, #tpu.memory_space<semaphore_mem>>
          %dma_start3A_208 = arith.constant 0 : i32
          %dma_start3A_209 = arith.constant 0 : i32
          %dma_start3A_210 = tpu.memref_slice %arg5[%run_scoped3A_174, %dma_start3A_208, %dma_start3A_209] : memref<2x2x128xi32, #tpu.memory_space<vmem>> -> memref<1x2x128xi32, #tpu.memory_space<vmem>>
          %dma_start3A_211 = tpu.memref_squeeze %dma_start3A_210 : memref<1x2x128xi32, #tpu.memory_space<vmem>> -> memref<2x128xi32, #tpu.memory_space<vmem>>
          %dma_start3A_212 = arith.constant 0 : i32
          %dma_start3A_213 = tpu.memref_slice %arg3[%add3A_173, %dma_start3A_212] : memref<25600x128xi32, #tpu.memory_space<hbm>> -> memref<2x128xi32, #tpu.memory_space<hbm>>
          %dma_start3A_214 = arith.constant 0 : i32
          %dma_start3A_215 = arith.constant 0 : i32
          %dma_start3A_216 = tpu.memref_slice %arg5[%run_scoped3A_174, %dma_start3A_214, %dma_start3A_215] : memref<2x2x128xi32, #tpu.memory_space<vmem>> -> memref<1x2x128xi32, #tpu.memory_space<vmem>>
          %dma_start3A_217 = tpu.memref_squeeze %dma_start3A_216 : memref<1x2x128xi32, #tpu.memory_space<vmem>> -> memref<2x128xi32, #tpu.memory_space<vmem>>
          %dma_start3A_218 = arith.constant 0 : i32
          %dma_start3A_219 = tpu.memref_slice %arg3[%add3A_173, %dma_start3A_218] : memref<25600x128xi32, #tpu.memory_space<hbm>> -> memref<2x128xi32, #tpu.memory_space<hbm>>
          tpu.enqueue_dma source(%dma_start3A_219 : memref<2x128xi32, #tpu.memory_space<hbm>>) target(%dma_start3A_217 : memref<2x128xi32, #tpu.memory_space<vmem>>) target_semaphore(%run_scoped3A_207 : memref<!tpu.dma_semaphore, #tpu.memory_space<semaphore_mem>>)
          %dma_wait3A_220 = arith.constant 0 : i32
          %dma_wait3A_221 = arith.constant 0 : i32
          %dma_wait3A_222 = tpu.memref_slice %arg5[%run_scoped3A_174, %dma_wait3A_220, %dma_wait3A_221] : memref<2x2x128xi32, #tpu.memory_space<vmem>> -> memref<1x2x128xi32, #tpu.memory_space<vmem>>
          %dma_wait3A_223 = tpu.memref_squeeze %dma_wait3A_222 : memref<1x2x128xi32, #tpu.memory_space<vmem>> -> memref<2x128xi32, #tpu.memory_space<vmem>>
          %dma_wait3A_224 = arith.constant 0 : i32
          %dma_wait3A_225 = tpu.memref_slice %arg3[%add3A_173, %dma_wait3A_224] : memref<25600x128xi32, #tpu.memory_space<hbm>> -> memref<2x128xi32, #tpu.memory_space<hbm>>
          %dma_wait3A_226 = arith.constant 0 : i32
          %dma_wait3A_227 = arith.constant 0 : i32
          %dma_wait3A_228 = tpu.memref_slice %arg5[%run_scoped3A_174, %dma_wait3A_226, %dma_wait3A_227] : memref<2x2x128xi32, #tpu.memory_space<vmem>> -> memref<1x2x128xi32, #tpu.memory_space<vmem>>
          %dma_wait3A_229 = tpu.memref_squeeze %dma_wait3A_228 : memref<1x2x128xi32, #tpu.memory_space<vmem>> -> memref<2x128xi32, #tpu.memory_space<vmem>>
          %dma_wait3A_230 = arith.constant 0 : i32
          %dma_wait3A_231 = tpu.memref_slice %arg3[%add3A_173, %dma_wait3A_230] : memref<25600x128xi32, #tpu.memory_space<hbm>> -> memref<2x128xi32, #tpu.memory_space<hbm>>
          tpu.wait_dma2 semaphore(%run_scoped3A_207 : memref<!tpu.dma_semaphore, #tpu.memory_space<semaphore_mem>>) src(%dma_wait3A_231 : memref<2x128xi32, #tpu.memory_space<hbm>>) dst(%dma_wait3A_229 : memref<2x128xi32, #tpu.memory_space<vmem>>)
          tpu.yield
        }) : () -> ()
        %ge3A = arith.constant 1 : i32
        %ge3A_175 = arith.cmpi sge, %add3A_119, %ge3A : i32
        %convert_element_type3A_176 = arith.extui %ge3A_175 : i1 to i32
        %cond3A_177 = arith.constant 0 : i32
        %cond3A_178 = arith.cmpi ne, %convert_element_type3A_176, %cond3A_177 : i32
        scf.if %cond3A_178 {
          %sub3A = arith.constant 1 : i32
          %sub3A_207 = arith.subi %add3A_119, %sub3A : i32
          %mul3A_208 = arith.constant 256 : i32
          %mul3A_209 = arith.muli %sub3A_207, %mul3A_208 : i32
          %add3A_210 = arith.addi %mul3A_2, %mul3A_209 : i32
          %dma_wait3A_211 = arith.constant 0 : i32
          %dma_wait3A_212 = arith.constant 0 : i32
          %dma_wait3A_213 = arith.constant 0 : i32
          %dma_wait3A_214 = tpu.memref_slice %arg6[%dma_wait3A_211, %dma_wait3A_212, %dma_wait3A_213] : memref<2x256x128xf32, #tpu.memory_space<vmem>> -> memref<1x256x128xf32, #tpu.memory_space<vmem>>
          %dma_wait3A_215 = tpu.memref_squeeze %dma_wait3A_214 : memref<1x256x128xf32, #tpu.memory_space<vmem>> -> memref<256x128xf32, #tpu.memory_space<vmem>>
          %dma_wait3A_216 = arith.constant 0 : i32
          %dma_wait3A_217 = tpu.memref_slice %arg4[%add3A_210, %dma_wait3A_216] : memref<3276800x128xf32, #tpu.memory_space<hbm>> -> memref<256x128xf32, #tpu.memory_space<hbm>>
          %dma_wait3A_218 = arith.constant 0 : i32
          %dma_wait3A_219 = tpu.memref_slice %arg4[%add3A_210, %dma_wait3A_218] : memref<3276800x128xf32, #tpu.memory_space<hbm>> -> memref<256x128xf32, #tpu.memory_space<hbm>>
          %dma_wait3A_220 = arith.constant 0 : i32
          %dma_wait3A_221 = arith.constant 0 : i32
          %dma_wait3A_222 = tpu.memref_slice %arg6[%dma_wait3A_211, %dma_wait3A_220, %dma_wait3A_221] : memref<2x256x128xf32, #tpu.memory_space<vmem>> -> memref<1x256x128xf32, #tpu.memory_space<vmem>>
          %dma_wait3A_223 = tpu.memref_squeeze %dma_wait3A_222 : memref<1x256x128xf32, #tpu.memory_space<vmem>> -> memref<256x128xf32, #tpu.memory_space<vmem>>
          tpu.wait_dma2 semaphore(%arg9 : memref<!tpu.dma_semaphore, #tpu.memory_space<semaphore_mem>>) src(%dma_wait3A_223 : memref<256x128xf32, #tpu.memory_space<vmem>>) dst(%dma_wait3A_219 : memref<256x128xf32, #tpu.memory_space<hbm>>)
        } else {
        }
        %add3A_179 = arith.constant 1 : i32
        %add3A_180 = arith.addi %add3A_119, %add3A_179 : i32
        %dma_start3A_181 = arith.constant 0 : i32
        %dma_start3A_182 = arith.constant 0 : i32
        %dma_start3A_183 = arith.constant 0 : i32
        %dma_start3A_184 = arith.constant 0 : i32
        %dma_start3A_185 = arith.constant 0 : i32
        %dma_start3A_186 = tpu.memref_slice %arg6[%dma_start3A_183, %dma_start3A_184, %dma_start3A_185] : memref<2x256x128xf32, #tpu.memory_space<vmem>> -> memref<1x128x128xf32, #tpu.memory_space<vmem>>
        %dma_start3A_187 = tpu.memref_squeeze %dma_start3A_186 : memref<1x128x128xf32, #tpu.memory_space<vmem>> -> memref<128x128xf32, #tpu.memory_space<vmem>>
        %dma_start3A_188 = arith.constant 0 : i32
        %dma_start3A_189 = tpu.memref_slice %arg5[%dma_start3A_181, %dma_start3A_182, %dma_start3A_188] : memref<2x2x128xi32, #tpu.memory_space<vmem>> -> memref<1x1x128xi32, #tpu.memory_space<vmem>>
        %dma_start3A_190 = tpu.memref_squeeze %dma_start3A_189 : memref<1x1x128xi32, #tpu.memory_space<vmem>> -> memref<128xi32, #tpu.memory_space<vmem>>
        %dma_start3A_191 = arith.constant 0 : i32
        %dma_start3A_192 = arith.constant 0 : i32
        %dma_start3A_193 = tpu.memref_slice %arg2[%dma_start3A_191, %dma_start3A_192] : memref<1000000x128xf32, #tpu.memory_space<hbm>> -> memref<1000000x128xf32, #tpu.memory_space<hbm>>
        tpu.enqueue_indirect_dma source(%dma_start3A_193 : memref<1000000x128xf32, #tpu.memory_space<hbm>>) target(%dma_start3A_187 : memref<128x128xf32, #tpu.memory_space<vmem>>) offsets(%dma_start3A_190 : memref<128xi32, #tpu.memory_space<vmem>>) semaphore(%arg7 : memref<!tpu.dma_semaphore, #tpu.memory_space<semaphore_mem>>)
        %dma_start3A_194 = arith.constant 0 : i32
        %dma_start3A_195 = arith.constant 1 : i32
        %dma_start3A_196 = arith.constant 0 : i32
        %dma_start3A_197 = arith.constant 128 : i32
        %dma_start3A_198 = arith.constant 0 : i32
        %dma_start3A_199 = tpu.memref_slice %arg6[%dma_start3A_196, %dma_start3A_197, %dma_start3A_198] : memref<2x256x128xf32, #tpu.memory_space<vmem>> -> memref<1x128x128xf32, #tpu.memory_space<vmem>>
        %dma_start3A_200 = tpu.memref_squeeze %dma_start3A_199 : memref<1x128x128xf32, #tpu.memory_space<vmem>> -> memref<128x128xf32, #tpu.memory_space<vmem>>
        %dma_start3A_201 = arith.constant 0 : i32
        %dma_start3A_202 = tpu.memref_slice %arg5[%dma_start3A_194, %dma_start3A_195, %dma_start3A_201] : memref<2x2x128xi32, #tpu.memory_space<vmem>> -> memref<1x1x128xi32, #tpu.memory_space<vmem>>
        %dma_start3A_203 = tpu.memref_squeeze %dma_start3A_202 : memref<1x1x128xi32, #tpu.memory_space<vmem>> -> memref<128xi32, #tpu.memory_space<vmem>>
        %dma_start3A_204 = arith.constant 0 : i32
        %dma_start3A_205 = arith.constant 0 : i32
        %dma_start3A_206 = tpu.memref_slice %arg2[%dma_start3A_204, %dma_start3A_205] : memref<1000000x128xf32, #tpu.memory_space<hbm>> -> memref<1000000x128xf32, #tpu.memory_space<hbm>>
        tpu.enqueue_indirect_dma source(%dma_start3A_206 : memref<1000000x128xf32, #tpu.memory_space<hbm>>) target(%dma_start3A_200 : memref<128x128xf32, #tpu.memory_space<vmem>>) offsets(%dma_start3A_203 : memref<128xi32, #tpu.memory_space<vmem>>) semaphore(%arg7 : memref<!tpu.dma_semaphore, #tpu.memory_space<semaphore_mem>>)
      } else {
      }
      %dma_wait3A_127 = arith.constant 1 : i32
      %dma_wait3A_128 = arith.constant 0 : i32
      %dma_wait3A_129 = arith.constant 1 : i32
      %dma_wait3A_130 = arith.constant 0 : i32
      %dma_wait3A_131 = arith.constant 0 : i32
      %dma_wait3A_132 = tpu.memref_slice %arg6[%dma_wait3A_129, %dma_wait3A_130, %dma_wait3A_131] : memref<2x256x128xf32, #tpu.memory_space<vmem>> -> memref<1x128x128xf32, #tpu.memory_space<vmem>>
      %dma_wait3A_133 = tpu.memref_squeeze %dma_wait3A_132 : memref<1x128x128xf32, #tpu.memory_space<vmem>> -> memref<128x128xf32, #tpu.memory_space<vmem>>
      %dma_wait3A_134 = arith.constant 0 : i32
      %dma_wait3A_135 = tpu.memref_slice %arg5[%dma_wait3A_127, %dma_wait3A_128, %dma_wait3A_134] : memref<2x2x128xi32, #tpu.memory_space<vmem>> -> memref<1x1x128xi32, #tpu.memory_space<vmem>>
      %dma_wait3A_136 = tpu.memref_squeeze %dma_wait3A_135 : memref<1x1x128xi32, #tpu.memory_space<vmem>> -> memref<128xi32, #tpu.memory_space<vmem>>
      %dma_wait3A_137 = arith.constant 0 : i32
      %dma_wait3A_138 = arith.constant 0 : i32
      %dma_wait3A_139 = tpu.memref_slice %arg2[%dma_wait3A_137, %dma_wait3A_138] : memref<1000000x128xf32, #tpu.memory_space<hbm>> -> memref<1000000x128xf32, #tpu.memory_space<hbm>>
      tpu.wait_indirect_dma semaphore(%arg8 : memref<!tpu.dma_semaphore, #tpu.memory_space<semaphore_mem>>) src(%dma_wait3A_139 : memref<1000000x128xf32, #tpu.memory_space<hbm>>) dst(%dma_wait3A_133 : memref<128x128xf32, #tpu.memory_space<vmem>>)
      %dma_wait3A_140 = arith.constant 1 : i32
      %dma_wait3A_141 = arith.constant 1 : i32
      %dma_wait3A_142 = arith.constant 1 : i32
      %dma_wait3A_143 = arith.constant 128 : i32
      %dma_wait3A_144 = arith.constant 0 : i32
      %dma_wait3A_145 = tpu.memref_slice %arg6[%dma_wait3A_142, %dma_wait3A_143, %dma_wait3A_144] : memref<2x256x128xf32, #tpu.memory_space<vmem>> -> memref<1x128x128xf32, #tpu.memory_space<vmem>>
      %dma_wait3A_146 = tpu.memref_squeeze %dma_wait3A_145 : memref<1x128x128xf32, #tpu.memory_space<vmem>> -> memref<128x128xf32, #tpu.memory_space<vmem>>
      %dma_wait3A_147 = arith.constant 0 : i32
      %dma_wait3A_148 = tpu.memref_slice %arg5[%dma_wait3A_140, %dma_wait3A_141, %dma_wait3A_147] : memref<2x2x128xi32, #tpu.memory_space<vmem>> -> memref<1x1x128xi32, #tpu.memory_space<vmem>>
      %dma_wait3A_149 = tpu.memref_squeeze %dma_wait3A_148 : memref<1x1x128xi32, #tpu.memory_space<vmem>> -> memref<128xi32, #tpu.memory_space<vmem>>
      %dma_wait3A_150 = arith.constant 0 : i32
      %dma_wait3A_151 = arith.constant 0 : i32
      %dma_wait3A_152 = tpu.memref_slice %arg2[%dma_wait3A_150, %dma_wait3A_151] : memref<1000000x128xf32, #tpu.memory_space<hbm>> -> memref<1000000x128xf32, #tpu.memory_space<hbm>>
      tpu.wait_indirect_dma semaphore(%arg8 : memref<!tpu.dma_semaphore, #tpu.memory_space<semaphore_mem>>) src(%dma_wait3A_152 : memref<1000000x128xf32, #tpu.memory_space<hbm>>) dst(%dma_wait3A_146 : memref<128x128xf32, #tpu.memory_space<vmem>>)
      %mul3A_153 = arith.constant 256 : i32
      %mul3A_154 = arith.muli %add3A_119, %mul3A_153 : i32
      %add3A_155 = arith.addi %mul3A_2, %mul3A_154 : i32
      %dma_start3A_156 = arith.constant 1 : i32
      %dma_start3A_157 = arith.constant 0 : i32
      %dma_start3A_158 = arith.constant 0 : i32
      %dma_start3A_159 = tpu.memref_slice %arg6[%dma_start3A_156, %dma_start3A_157, %dma_start3A_158] : memref<2x256x128xf32, #tpu.memory_space<vmem>> -> memref<1x256x128xf32, #tpu.memory_space<vmem>>
      %dma_start3A_160 = tpu.memref_squeeze %dma_start3A_159 : memref<1x256x128xf32, #tpu.memory_space<vmem>> -> memref<256x128xf32, #tpu.memory_space<vmem>>
      %dma_start3A_161 = arith.constant 0 : i32
      %dma_start3A_162 = tpu.memref_slice %arg4[%add3A_155, %dma_start3A_161] : memref<3276800x128xf32, #tpu.memory_space<hbm>> -> memref<256x128xf32, #tpu.memory_space<hbm>>
      %dma_start3A_163 = arith.constant 0 : i32
      %dma_start3A_164 = tpu.memref_slice %arg4[%add3A_155, %dma_start3A_163] : memref<3276800x128xf32, #tpu.memory_space<hbm>> -> memref<256x128xf32, #tpu.memory_space<hbm>>
      %dma_start3A_165 = arith.constant 0 : i32
      %dma_start3A_166 = arith.constant 0 : i32
      %dma_start3A_167 = tpu.memref_slice %arg6[%dma_start3A_156, %dma_start3A_165, %dma_start3A_166] : memref<2x256x128xf32, #tpu.memory_space<vmem>> -> memref<1x256x128xf32, #tpu.memory_space<vmem>>
      %dma_start3A_168 = tpu.memref_squeeze %dma_start3A_167 : memref<1x256x128xf32, #tpu.memory_space<vmem>> -> memref<256x128xf32, #tpu.memory_space<vmem>>
      tpu.enqueue_dma source(%dma_start3A_168 : memref<256x128xf32, #tpu.memory_space<vmem>>) target(%dma_start3A_164 : memref<256x128xf32, #tpu.memory_space<hbm>>) target_semaphore(%arg10 : memref<!tpu.dma_semaphore, #tpu.memory_space<semaphore_mem>>)
    }
    %scan3A_35 = arith.constant 200 : i32
    %add3A_36 = arith.constant 101888 : i32
    %add3A_37 = arith.addi %mul3A_2, %add3A_36 : i32
    %dma_wait3A = arith.constant 0 : i32
    %dma_wait3A_38 = arith.constant 0 : i32
    %dma_wait3A_39 = arith.constant 0 : i32
    %dma_wait3A_40 = tpu.memref_slice %arg6[%dma_wait3A, %dma_wait3A_38, %dma_wait3A_39] : memref<2x256x128xf32, #tpu.memory_space<vmem>> -> memref<1x256x128xf32, #tpu.memory_space<vmem>>
    %dma_wait3A_41 = tpu.memref_squeeze %dma_wait3A_40 : memref<1x256x128xf32, #tpu.memory_space<vmem>> -> memref<256x128xf32, #tpu.memory_space<vmem>>
    %dma_wait3A_42 = arith.constant 0 : i32
    %dma_wait3A_43 = tpu.memref_slice %arg4[%add3A_37, %dma_wait3A_42] : memref<3276800x128xf32, #tpu.memory_space<hbm>> -> memref<256x128xf32, #tpu.memory_space<hbm>>
    %dma_wait3A_44 = arith.constant 0 : i32
    %dma_wait3A_45 = tpu.memref_slice %arg4[%add3A_37, %dma_wait3A_44] : memref<3276800x128xf32, #tpu.memory_space<hbm>> -> memref<256x128xf32, #tpu.memory_space<hbm>>
    %dma_wait3A_46 = arith.constant 0 : i32
    %dma_wait3A_47 = arith.constant 0 : i32
    %dma_wait3A_48 = tpu.memref_slice %arg6[%dma_wait3A, %dma_wait3A_46, %dma_wait3A_47] : memref<2x256x128xf32, #tpu.memory_space<vmem>> -> memref<1x256x128xf32, #tpu.memory_space<vmem>>
    %dma_wait3A_49 = tpu.memref_squeeze %dma_wait3A_48 : memref<1x256x128xf32, #tpu.memory_space<vmem>> -> memref<256x128xf32, #tpu.memory_space<vmem>>
    tpu.wait_dma2 semaphore(%arg9 : memref<!tpu.dma_semaphore, #tpu.memory_space<semaphore_mem>>) src(%dma_wait3A_49 : memref<256x128xf32, #tpu.memory_space<vmem>>) dst(%dma_wait3A_45 : memref<256x128xf32, #tpu.memory_space<hbm>>)
    %add3A_50 = arith.constant 102144 : i32
    %add3A_51 = arith.addi %mul3A_2, %add3A_50 : i32
    %dma_wait3A_52 = arith.constant 1 : i32
    %dma_wait3A_53 = arith.constant 0 : i32
    %dma_wait3A_54 = arith.constant 0 : i32
    %dma_wait3A_55 = tpu.memref_slice %arg6[%dma_wait3A_52, %dma_wait3A_53, %dma_wait3A_54] : memref<2x256x128xf32, #tpu.memory_space<vmem>> -> memref<1x256x128xf32, #tpu.memory_space<vmem>>
    %dma_wait3A_56 = tpu.memref_squeeze %dma_wait3A_55 : memref<1x256x128xf32, #tpu.memory_space<vmem>> -> memref<256x128xf32, #tpu.memory_space<vmem>>
    %dma_wait3A_57 = arith.constant 0 : i32
    %dma_wait3A_58 = tpu.memref_slice %arg4[%add3A_51, %dma_wait3A_57] : memref<3276800x128xf32, #tpu.memory_space<hbm>> -> memref<256x128xf32, #tpu.memory_space<hbm>>
    %dma_wait3A_59 = arith.constant 0 : i32
    %dma_wait3A_60 = tpu.memref_slice %arg4[%add3A_51, %dma_wait3A_59] : memref<3276800x128xf32, #tpu.memory_space<hbm>> -> memref<256x128xf32, #tpu.memory_space<hbm>>
    %dma_wait3A_61 = arith.constant 0 : i32
    %dma_wait3A_62 = arith.constant 0 : i32
    %dma_wait3A_63 = tpu.memref_slice %arg6[%dma_wait3A_52, %dma_wait3A_61, %dma_wait3A_62] : memref<2x256x128xf32, #tpu.memory_space<vmem>> -> memref<1x256x128xf32, #tpu.memory_space<vmem>>
    %dma_wait3A_64 = tpu.memref_squeeze %dma_wait3A_63 : memref<1x256x128xf32, #tpu.memory_space<vmem>> -> memref<256x128xf32, #tpu.memory_space<vmem>>
    tpu.wait_dma2 semaphore(%arg10 : memref<!tpu.dma_semaphore, #tpu.memory_space<semaphore_mem>>) src(%dma_wait3A_64 : memref<256x128xf32, #tpu.memory_space<vmem>>) dst(%dma_wait3A_60 : memref<256x128xf32, #tpu.memory_space<hbm>>)
    return
  }
}

</mosaic_0001>

<sc_bundles>
// kernel: _gather_rows.3.cloned.1.call-start
scs
__scs_entry_jumppad:
0x0: {  	(pc) =	sbr.rel $0x88, $3  }
0x1: {  	(tag) =	ssettag $0x0;
	lr =	simm.s32 $0x1  }
0x2: {  	[smem:$0x3F9F] =	sst lr;
	_ =	strace $0xD0000000  }
0x3: {  	_ = 	snop  }
0x4: {  	_ = 	snop  }
0x5: {  	_ = 	snop  }
0x6: {  	_ = 	snop  }
0x7: {  	_ = 	snop  }
__scs_overlays_trampoline_lowered:
0x8: {  	[smem:$0x3FAE] =	sst s0  }
0x9: {  	[smem:$0x3FAF] =	sst s1  }
0xa: {  	[smem:$0x3FB0] =	sst s2  }
0xb: {  	[smem:$0x3FB1] =	sst s3  }
0xc: {  	[smem:$0x3FB2] =	sst s4  }
0xd: {  	[smem:$0x3FB3] =	sst s5  }
0xe: {  	[smem:$0x3FB4] =	sst s6  }
0xf: {  	[smem:$0x3FB5] =	sst s7  }
0x10: {  	[smem:$0x3FB6] =	sst s8  }
0x11: {  	[smem:$0x3FB7] =	sst s9;
	s0 =	simm.s32 @!p0 $0x0  }
0x12: {  	s1 =	sld [smem:$0x3F9D];
	s0 =	simm.s32 @p0 $0x1  }
0x13: {  	[smem:$0x3FB8] =	sst s0;
	s0 =	simm.s32 @!p1 $0x0  }
0x14: {  	s2 =	sld [smem:$0x3F9C];
	s0 =	simm.s32 @p1 $0x1  }
0x15: {  	[smem:$0x3FB9] =	sst s0;
	s0 =	simm.s32 @!p2 $0x0  }
0x16: {  	s3 =	sld [smem:$0x3FDB];
	s0 =	simm.s32 @p2 $0x1  }
0x17: {  	s4 =	simm.s32 $0x1BF5;
	[smem:$0x3FBB] =	sst s0  }
0x18: {  	s0 =	sld [smem:$0x3F9E];
	_ =	swait.ge [sflag:s4], $0x0  }
0x19: {  	s7 =	sld [smem:$0x3F9F]  }
0x1a: {  	s8 =	sadd.s32 $0xFFFFE003, lr  }
0x1b: {  	s9 =	sadd.s32 $0xFFFFFEF7, lr;
	s5 =	simm.s32 $0xFFFFFFFF;
	p2 =	slt.u32 s8, $0xFFFFF086  }
0x1c: {  	p1 =	slt.u32 s9, $0xF7A;
	s5 =	simm.s32 @!p2 $0x0  }
0x1d: {  	s5 =	simm.s32 @p1 $0x1;
	p0 =	seq.s32 s7, s2  }
0x1e: {  	s7 =	smul.u32 @!p0 $0xF7A, s2;
	p2 =	seq.s32 @!p0 s5, $0x0  }
0x1f: {  	s9 =	smul.u32 $0xF7A, s1;
	s8 =	simm.s32 @!p0 $0x1BF5;
	p2 =	por !p2, p0  }
0x20: {  	[sflag:s8] =	ssyncset.s32 @!p0 $0xFFFFF086;
	s6 =	sadd.s32 @!p0 s3, s7;
	s7 =	simm.s32 @!p0 $0x108  }
0x21: {  	s3 =	sadd.s32 s3, s9;
	s6 =	sadd.s32 @!p0 $0x88, s6;
	s7 =	simm.s32 @p2 $0x1082  }
0x22: {  	[simem:s7], [sflag:s8] =	dma.local @!p0 [hbm:s6], $0xF7A  }
0x23: {  	s9 =	sor.u32 $0xD0000000, s2;
	s6 =	simm.s32 $0x108;
	_ =	swait.ge @!p0 [sflag:s8], $0x0  }
0x24: {  	s3 =	sadd.s32 $0x88, s3;
	s6 =	simm.s32 @!p1 $0x1082;
	[sflag:s4] =	ssyncset.s32 $0xFFFFF086  }
0x25: {  	[simem:s6], [sflag:s4] =	dma.local [hbm:s3], $0xF7A  }
0x26: {  	[smem:$0x3F9F] =	sst s1;
	(tag) =	ssettag s2;
	_ =	strace s9  }
0x27: {  	s1 =	sld [smem:$0x3FAF]  }
0x28: {  	s2 =	sld [smem:$0x3FB0]  }
0x29: {  	s4 =	sld [smem:$0x3FB2]  }
0x2a: {  	p0 =	seq.s32 s5, $0x0;
	s5 =	sld [smem:$0x3FB3]  }
0x2b: {  	s6 =	sld [smem:$0x3FB4]  }
0x2c: {  	s7 =	sld [smem:$0x3FB5]  }
0x2d: {  	s3 =	simm.s32 $0x108;
	s8 =	sld [smem:$0x3FB6]  }
0x2e: {  	s3 =	simm.s32 @!p0 $0x1082;
	s9 =	sld [smem:$0x3FB7]  }
0x2f: {  	lr =	sadd.s32 s0, s3;
	s0 =	sld [smem:$0x3FAE]  }
0x30: {  	s3 =	sld [smem:$0x3FB1]  }
0x31: {  	[smem:$0x3FBA] =	sst s10  }
0x32: {  	s10 =	sld [smem:$0x3FB8];
	_ =	sdelay $0x3  }
0x33: {  	p0 =	seq.s32 s10, $0x1;
	s10 =	sld [smem:$0x3FBA];
	_ =	sdelay $0x3  }
0x34: {  	[smem:$0x3FBA] =	sst s10  }
0x35: {  	s10 =	sld [smem:$0x3FB9];
	_ =	sdelay $0x3  }
0x36: {  	p1 =	seq.s32 s10, $0x1;
	s10 =	sld [smem:$0x3FBA];
	_ =	sdelay $0x3  }
0x37: {  	[smem:$0x3FBA] =	sst s10  }
0x38: {  	s10 =	sld [smem:$0x3FBB]  }
0x39: {  	_ = 	snop;
	(pc) =	sbr.ind lr, $3  }
0x3a: {  	_ = 	snop  }
0x3b: {  	_ = 	snop  }
0x3c: {  	p2 =	seq.s32 s10, $0x1;
	s10 =	sld [smem:$0x3FBA]  }
0x3d: {  	_ =	shalt  }
0x3e: {  	_ =	shalt  }
0x3f: {  	_ =	shalt  }
0x40: {  	_ =	shalt  }
0x41: {  	_ =	shalt  }
0x42: {  	_ =	shalt  }
0x43: {  	_ =	shalt  }
0x44: {  	_ =	shalt  }
0x45: {  	_ =	shalt  }
0x46: {  	_ =	shalt  }
0x47: {  	_ =	shalt  }
0x48: {  	_ =	shalt  }
0x49: {  	_ =	shalt  }
0x4a: {  	_ =	shalt  }
0x4b: {  	_ =	shalt  }
0x4c: {  	_ =	shalt  }
0x4d: {  	_ =	shalt  }
0x4e: {  	_ =	shalt  }
0x4f: {  	_ =	shalt  }
0x50: {  	_ =	shalt  }
0x51: {  	_ =	shalt  }
0x52: {  	_ =	shalt  }
0x53: {  	_ =	shalt  }
0x54: {  	_ =	shalt  }
0x55: {  	_ =	shalt  }
0x56: {  	_ =	shalt  }
0x57: {  	_ =	shalt  }
0x58: {  	_ =	shalt  }
0x59: {  	_ =	shalt  }
0x5a: {  	_ =	shalt  }
0x5b: {  	_ =	shalt  }
0x5c: {  	_ =	shalt  }
0x5d: {  	_ =	shalt  }
0x5e: {  	_ =	shalt  }
0x5f: {  	_ =	shalt  }
0x60: {  	_ =	shalt  }
0x61: {  	_ =	shalt  }
0x62: {  	_ =	shalt  }
0x63: {  	_ =	shalt  }
0x64: {  	_ =	shalt  }
0x65: {  	_ =	shalt  }
0x66: {  	_ =	shalt  }
0x67: {  	_ =	shalt  }
0x68: {  	_ =	shalt  }
0x69: {  	_ =	shalt  }
0x6a: {  	_ =	shalt  }
0x6b: {  	_ =	shalt  }
0x6c: {  	_ =	shalt  }
0x6d: {  	_ =	shalt  }
0x6e: {  	_ =	shalt  }
0x6f: {  	_ =	shalt  }
0x70: {  	_ =	shalt  }
0x71: {  	_ =	shalt  }
0x72: {  	_ =	shalt  }
0x73: {  	_ =	shalt  }
0x74: {  	_ =	shalt  }
0x75: {  	_ =	shalt  }
0x76: {  	_ =	shalt  }
0x77: {  	_ =	shalt  }
0x78: {  	_ =	shalt  }
0x79: {  	_ =	shalt  }
0x7a: {  	_ =	shalt  }
0x7b: {  	_ =	shalt  }
0x7c: {  	_ =	shalt  }
0x7d: {  	_ =	shalt  }
0x7e: {  	_ =	shalt  }
0x7f: {  	_ =	shalt  }
0x80: {  	_ =	shalt  }
0x81: {  	_ =	shalt  }
0x82: {  	_ =	shalt  }
0x83: {  	_ =	shalt  }
0x84: {  	_ =	shalt  }
0x85: {  	_ =	shalt  }
0x86: {  	_ =	shalt  }
0x87: {  	_ =	shalt  }
.Lfunc_end0:
.L_simem_size_0:
called_computation_lowered:
.L_overlay_start_0:
0x88: {  	s2 =	sld [smem:$0x3FD9]  }
0x89: {  	s3 =	sld [smem:$0x3FFE];
	_ =	sdelay $0x1  }
0x8a: {  	s1 =	srdreg.scid  }
0x8b: {  	s0 =	sand.u32 $0x1, s1  }
0x8c: {  	s18 =	sshll.u32 s0, $0xA;
	s2 =	sadd.s32 s3, s2  }
0x8d: {  	s2 =	sadd.s32 s2, s18  }
0x8e: {  	[smem:$0x3FC6] =	sst s2  }
0x8f: {  	_ = 	snop  }
0x90: {  	s2 =	sld [smem:$0x3FC9]  }
0x91: {  	s19 =	sld [smem:$0x3FC8]  }
0x92: {  	s4 =	sld [smem:$0x3FD0];
	(tm) =	ssettm $0x1  }
0x93: {  	s5 =	sld [smem:$0x3FFB];
	_ =	sdelay $0x3  }
0x94: {  	_ =	strace s5  }
0x95: {  	s5 =	sld [smem:$0x3FFC];
	_ =	sdelay $0x3  }
0x96: {  	_ =	strace s5  }
0x97: {  	s5 =	sld [smem:$0x3FFD];
	_ =	sdelay $0x3  }
0x98: {  	_ =	strace s5  }
0x99: {  	_ =	strace $0x8FFFFFFF  }
0x9a: {  	s20 =	sld [smem:$0x3FDB];
	_ =	sdelay $0x1  }
0x9b: {  	s6 =	simm.s32 $_scs_section_size  }
0x9c: {  	s7 =	simm.s32 $_size__tile_overlayer_lowered;
	s8 =	simm.s32 $_tile_overlayer_lowered  }
0x9d: {  	s23 =	simm.s32 $0x1BFF;
	s22 =	sshll.u32 s8, $0x1;
	s5 =	sadd.s32 s6, s20  }
0x9e: {  	s9 =	simm.s32 $0x0;
	s21 =	sshll.u32 s7, $0x1;
	s7 =	sadd.s32 s22, s5  }
0x9f: {  	[timem:s9], [sflag:s23] =	dma.local [hbm:s7], s21  }
0xa0: {  	_ =	swait.ge [sflag:s23], s21  }
0xa1: {  	s6 =	ssub.s32 $0x0, s21;
	[sflag:s23] =	ssyncset.done $0x0  }
0xa2: {  	[sflag:s23] =	ssyncadd.s32 s6;
	_ =	sdelay $0x1  }
0xa3: {  	s24 =	simm.s32 $0x1B8B  }
0xa4: {  	_ =	swait.ge [sflag:s24], $0x1  }
0xa5: {  	[sflag:s24] =	ssyncset.done $0x0  }
0xa6: {  	s25 =	simm.s32 $0x1B8E;
	[sflag:s24] =	ssyncadd.s32 $0xFFFFFFFF  }
0xa7: {  	s26 =	simm.s32 $execute0_lowered;
	[smem:$0x3FD2] =	sst s25  }
0xa8: {  	s6 =	sshll.u32 s26, $0x1;
	_ =	strace $0x80000046;
	[dreg:$0x1] =	wrdreg $0xFFFFFFFF  }
0xa9: {  	s28 =	simm.s32 $_size_execute0_lowered;
	s5 =	sadd.s32 s5, s6;
	[dreg:$0x0] =	wrdreg $0x0  }
0xaa: {  	s6 =	sshll.u32 s28, $0x1;
	[dreg:$0x2] =	wrdreg s5  }
0xab: {  	[dreg:$0x3] =	wrdreg s6  }
0xac: {  	[dreg:$0x4] =	wrdreg $0xC0  }
0xad: {  	_ =	task [dreg:s9], $0x5FFFF  }
0xae: {  	[dreg:$0x1] =	wrdreg $0xFFFFFFFF  }
0xaf: {  	[dreg:$0x0] =	wrdreg $0x60  }
0xb0: {  	[dreg:$0x2] =	wrdreg s2  }
0xb1: {  	[dreg:$0x3] =	wrdreg s19  }
0xb2: {  	[dreg:$0x4] =	wrdreg s4  }
0xb3: {  	[dreg:$0x5] =	wrdreg $0x9  }
0xb4: {  	_ =	task.clear_ibuf [dreg:s9], $0x6FFFF;
	_ =	strace $0x90000046  }
0xb5: {  	s29 =	simm.s32 $0x9;
	_ =	strace $0x80000048  }
0xb6: {  	_ =	swait.ge [sflag:s29], $0x1  }
0xb7: {  	[sflag:s29] =	ssyncadd.s32 $0xFFFFFFFF  }
0xb8: {  	_ =	strace $0x90000048  }
0xb9: {  	_ =	sfence  }
0xba: {  	s30 =	sld [smem:$0x0];
	_ =	sdelay $0x2  }
0xbb: {  	s31 =	sshll.u32 s1, $0xD;
	s1 =	sshrl.u32 s1, $0x2  }
0xbc: {  	s3 =	sand.u32 $0x4000, s31;
	s1 =	sadd.s32 s1, s30  }
0xbd: {  	s0 =	sor.u32 s3, s0;
	s1 =	sshll.u32 s1, $0x11  }
0xbe: {  	s0 =	sor.u32 s1, s0  }
0xbf: {  	s0 =	sadd.s32 $0x8F2B, s0  }
0xc0: {  	[sflag:s0] =	ssyncadd.remote.s32 $0x1  }
0xc1: {  	_ =	sfence.sel $0xFFFF  }
0xc2: {  	[dreg:$0x0] =	wrdreg $0xFFFFFFFF;
	(pc) =	sbr.abs _section_cstart, $3  }
0xc3: {  	[dreg:$0x1] =	wrdreg $0xFFFFFFFF  }
0xc4: {  	_ =	task.clear_ibuf [dreg:s9], $0x2FFFF;
	_ =	strace $0x9FFFFFFF  }
0xc5: {  	(tm) =	ssettm $0x7FFFFFFF  }
tec
execute0_lowered:
.L_overlay_start_1:
0x0: {  	(tag) =	ssettag $0x1  }
0x1: {  	s1 =	rddreg [dreg:$0x0]  }
0x2: {  	s2 =	rddreg [dreg:$0x1]  }
0x3: {  	s9 =	rddreg [dreg:$0x2]  }
0x4: {  	s0 =	rddreg [dreg:$0x3];
	s4 =	simm.s32 $0x0  }
0x5: {  	s5 =	srdreg.scid;
	s3 =	stileid.u32;
	s13 =	simm.s32 $0x4200  }
0x6: {  	s14 =	simm.s32 $0x100;
	s16 =	simm.s32 $0x180;
	s15 =	simm.s32 $0x8200  }
0x7: {  	s31 =	simm.s32 $0xC200;
	s17 =	simm.s32 $0x2;
	s18 =	simm.s32 $0x3  }
0x8: {  	s19 =	simm.s32 $0x4;
	s20 =	simm.s32 $0x0;
	[smem:$0x7FF] =	sst s4  }
0x9: {  	s6 =	sand.u32 $0x1, s5;
	s28 =	sshll.u32 s3, $0x1;
	s7 =	smul.u32 $0x1900000, s3  }
0xa: {  	s29 =	smul.u32 $0x32000, s3;
	s8 =	ssub.s32 $0x2, s6;
	s5 =	sor.u32 s6, s28  }
0xb: {  	s10 =	smul.u32 $0xC80000, s6;
	_ =	strace $0x80000047;
	[dreg:$0x5] =	wrdreg s16  }
0xc: {  	s30 =	smul.u32 $0x19000, s6;
	[dreg:$0x4] =	wrdreg s31;
	s11 =	sshrl.u32 s8, $0x1  }
0xd: {  	s16 =	simm.s32 $0x1;
	s5 =	smul.u32 $0x3200, s5;
	s8 =	ssub.s32 s8, s11  }
0xe: {  	s7 =	sadd.s32 s10, s7;
	s10 =	simm.s32 $0x5;
	s11 =	simm.s32 $0x80  }
0xf: {  	s5 =	sadd.s32 s2, s5;
	s12 =	sor.u32 $0x8000, s7;
	s6 =	smax.u32 s8, $0x1  }
0x10: {  	s7 =	sshrl.u32 s7, $0x3;
	s8 =	sadd.s32 s30, s29;
	s12 =	sshrl.u32 s12, $0x3  }
0x11: {  	s7 =	sadd.s32 s7, s9;
	s9 =	sadd.s32 s12, s9;
	s12 =	simm.s32 $0x200  }
.LBB2_1:
0x12: {  	[tilespmem:s4], [sflag:$0x5] =	stream.linear.gather [hbm4b:s5+s4], $0x100, $0x38;
	[tilespmem:$0x10200] =	vst v63  }
0x13: {  	s21 =	sadd.s32 $0x0, s8;
	s22 =	simm.s32 $0x100;
	_ =	swait.ge [sflag:s10], $0x100  }
0x14: {  	s21 =	sand.u32 $0x7FFC00, s21;
	s22 =	sand.u32 $0x300, s22;
	[sflag:s10] =	ssyncset.done $0x0  }
0x15: {  	s21 =	sor.u32 s21, s22;
	[sflag:s10] =	ssyncadd.s32 $0xFFFFFF00  }
0x16: {  	[tilespmem:s12], [sflag:$0x1] =	stream.indirect.gather [hbm4b:s1+s11], $0x80, s4, s11, $0xb8;
	[tilespmem:$0x10200] =	vst v63  }
0x17: {  	s21 =	sshrl.u32 s21, $0x3  }
0x18: {  	[tilespmem:s13], [sflag:$0x1] =	stream.indirect.gather [hbm4b:s1+s11], $0x80, s11, s11, $0xb8;
	[tilespmem:$0x10200] =	vst v63  }
0x19: {  	s21 =	sadd.s32 s2, s21  }
0x1a: {  	[tilespmem:s14], [sflag:$0x5] =	stream.linear.gather [hbm4b:s21+s4], $0x100, $0x38;
	[tilespmem:$0x10200] =	vst v63  }
0x1b: {  	_ =	swait.ge [sflag:s10], $0x100  }
0x1c: {  	p0 =	por $0x1, $0x1;
	[sflag:s10] =	ssyncset.done $0x0  }
0x1d: {  	s21 =	simm.s32 @!p0 $0x4;
	[sflag:s10] =	ssyncadd.s32 $0xFFFFFF00  }
0x1e: {  	_ =	swait.ge @!p0 [sflag:s21], $0x8000  }
0x1f: {  	[sflag:s21] =	ssyncset.done @!p0 $0x0  }
0x20: {  	s30 =	rddreg [dreg:$0x4];
	[sflag:s21] =	ssyncadd.s32 @!p0 $0xFFFF8000  }
0x21: {  	[tilespmem:s15], [sflag:$0x2] =	stream.indirect.gather [hbm4b:s1+s11], $0x80, s14, s11, $0xb8;
	[tilespmem:$0x10200] =	vst v63  }
0x22: {  	s31 =	rddreg [dreg:$0x5]  }
0x23: {  	[tilespmem:s30], [sflag:$0x2] =	stream.indirect.gather [hbm4b:s1+s11], $0x80, s31, s11, $0xb8;
	[tilespmem:$0x10200] =	vst v63  }
0x24: {  	p0 =	por $0x0, $0x0;
	_ =	swait.ge [sflag:s16], $0x4000  }
0x25: {  	s21 =	sadd.s32 @!p0 $0x0, s8;
	[sflag:s16] =	ssyncset.done $0x0  }
0x26: {  	s22 =	sxor.u32 @!p0 $0xFFFFFFFF, s4;
	s21 =	sadd.s32 @!p0 $0x200, s21;
	[sflag:s16] =	ssyncadd.s32 $0xFFFFC000  }
0x27: {  	s22 =	sand.u32 @!p0 $0x200, s22;
	s21 =	sand.u32 @!p0 $0x7FFC00, s21;
	_ =	swait.ge [sflag:s16], $0x4000  }
0x28: {  	s21 =	sor.u32 @!p0 s22, s21;
	[sflag:s16] =	ssyncset.done $0x0  }
0x29: {  	s21 =	sshrl.u32 @!p0 s21, $0x3;
	[sflag:s16] =	ssyncadd.s32 $0xFFFFC000  }
0x2a: {  	[hbm4b:s7+s4] =	stream.linear.scatter [tilespmem:s12], [sflag:$0x3], $0x8000, $0x38;
	[tilespmem:$0x10200] =	vst v63  }
0x2b: {  	s23 =	simm.s32 @!p0 $0x5;
	s22 =	simm.s32 @!p0 $0x0;
	s21 =	sadd.s32 @!p0 s2, s21  }
0x2c: {  	[tilespmem:s22], [sflag:$0x5] =	stream.linear.gather @!p0 [hbm4b:s21+s22], $0x100, $0x38;
	[tilespmem:$0x10200] =	vst v63  }
0x2d: {  	_ =	swait.ge @!p0 [sflag:s23], $0x100  }
0x2e: {  	[sflag:s23] =	ssyncset.done @!p0 $0x0  }
0x2f: {  	s21 =	simm.s32 @!p0 $0x3;
	[sflag:s23] =	ssyncadd.s32 @!p0 $0xFFFFFF00  }
0x30: {  	_ =	swait.ge @!p0 [sflag:s21], $0x8000  }
0x31: {  	[sflag:s21] =	ssyncset.done @!p0 $0x0  }
0x32: {  	s23 =	simm.s32 @!p0 $0x200;
	[sflag:s21] =	ssyncadd.s32 @!p0 $0xFFFF8000;
	s21 =	simm.s32 @!p0 $0x80  }
0x33: {  	[tilespmem:s23], [sflag:$0x1] =	stream.indirect.gather @!p0 [hbm4b:s1+s21], $0x80, s22, s21, $0xb8;
	[tilespmem:$0x10200] =	vst v63  }
0x34: {  	s24 =	simm.s32 $0x400;
	s22 =	simm.s32 @!p0 $0x4200  }
0x35: {  	[tilespmem:s22], [sflag:$0x1] =	stream.indirect.gather @!p0 [hbm4b:s1+s21], $0x80, s21, s21, $0xb8;
	[tilespmem:$0x10200] =	vst v63  }
0x36: {  	s25 =	sadd.s32 $0x200, s8;
	s28 =	simm.s32 $0x300;
	_ =	swait.ge [sflag:s17], $0x4000  }
0x37: {  	s26 =	sand.u32 $0x7FFC00, s25;
	s28 =	sand.u32 $0x300, s28;
	[sflag:s17] =	ssyncset.done $0x0  }
0x38: {  	s25 =	smov.u32 s9;
	s23 =	simm.s32 $0x200;
	[sflag:s17] =	ssyncadd.s32 $0xFFFFC000  }
0x39: {  	s22 =	sadd.s32 $0x2000, s7;
	s21 =	sadd.s32 $0x2000, s9;
	_ =	swait.ge [sflag:s17], $0x4000  }
.LBB2_2:
0x3a: {  	s26 =	sor.u32 s26, s28;
	[sflag:s17] =	ssyncset.done $0x0  }
0x3b: {  	s26 =	sshrl.u32 s26, $0x3;
	[sflag:s17] =	ssyncadd.s32 $0xFFFFC000  }
0x3c: {  	[hbm4b:s25+s4] =	stream.linear.scatter [tilespmem:s15], [sflag:$0x4], $0x8000, $0x38;
	[tilespmem:$0x10200] =	vst v63  }
0x3d: {  	s26 =	sadd.s32 s2, s26  }
0x3e: {  	[tilespmem:s14], [sflag:$0x5] =	stream.linear.gather [hbm4b:s26+s4], $0x100, $0x38;
	[tilespmem:$0x10200] =	vst v63  }
0x3f: {  	_ =	swait.ge [sflag:s10], $0x100  }
0x40: {  	p1 =	seq.s32 s23, $0x0;
	[sflag:s10] =	ssyncset.done $0x0  }
0x41: {  	s26 =	simm.s32 @!p1 $0x4;
	[sflag:s10] =	ssyncadd.s32 $0xFFFFFF00  }
0x42: {  	_ =	swait.ge @!p1 [sflag:s26], $0x8000  }
0x43: {  	[sflag:s26] =	ssyncset.done @!p1 $0x0  }
0x44: {  	s29 =	rddreg [dreg:$0x4];
	[sflag:s26] =	ssyncadd.s32 @!p1 $0xFFFF8000  }
0x45: {  	[tilespmem:s15], [sflag:$0x2] =	stream.indirect.gather [hbm4b:s1+s11], $0x80, s14, s11, $0xb8;
	[tilespmem:$0x10200] =	vst v63  }
0x46: {  	s30 =	rddreg [dreg:$0x5]  }
0x47: {  	[tilespmem:s29], [sflag:$0x2] =	stream.indirect.gather [hbm4b:s1+s11], $0x80, s30, s11, $0xb8;
	[tilespmem:$0x10200] =	vst v63  }
0x48: {  	p1 =	seq.s32 s23, $0x18E00;
	_ =	swait.ge [sflag:s16], $0x4000  }
0x49: {  	s26 =	sadd.s32 @!p1 s23, s8;
	[sflag:s16] =	ssyncset.done $0x0  }
0x4a: {  	s23 =	sxor.u32 @!p1 $0xFFFFFFFF, s23;
	s26 =	sadd.s32 @!p1 $0x200, s26;
	[sflag:s16] =	ssyncadd.s32 $0xFFFFC000  }
0x4b: {  	s29 =	sand.u32 @!p1 $0x200, s23;
	s26 =	sand.u32 @!p1 $0x7FFC00, s26;
	_ =	swait.ge [sflag:s16], $0x4000  }
0x4c: {  	s28 =	smov.u32 s24;
	s26 =	sor.u32 @!p1 s29, s26;
	[sflag:s16] =	ssyncset.done $0x0  }
0x4d: {  	s23 =	smov.u32 s28;
	s26 =	sshrl.u32 @!p1 s26, $0x3;
	[sflag:s16] =	ssyncadd.s32 $0xFFFFC000  }
0x4e: {  	[hbm4b:s22+s4] =	stream.linear.scatter [tilespmem:s12], [sflag:$0x3], $0x8000, $0x38;
	[tilespmem:$0x10200] =	vst v63  }
0x4f: {  	s28 =	simm.s32 @!p1 $0x0;
	s29 =	simm.s32 @!p1 $0x5;
	s26 =	sadd.s32 @!p1 s2, s26  }
0x50: {  	[tilespmem:s28], [sflag:$0x5] =	stream.linear.gather @!p1 [hbm4b:s26+s28], $0x100, $0x38;
	[tilespmem:$0x10200] =	vst v63  }
0x51: {  	_ =	swait.ge @!p1 [sflag:s29], $0x100  }
0x52: {  	[sflag:s29] =	ssyncset.done @!p1 $0x0  }
0x53: {  	s26 =	simm.s32 @!p1 $0x3;
	[sflag:s29] =	ssyncadd.s32 @!p1 $0xFFFFFF00  }
0x54: {  	_ =	swait.ge @!p1 [sflag:s26], $0x8000  }
0x55: {  	s24 =	sadd.s32 $0x200, s24;
	[sflag:s26] =	ssyncset.done @!p1 $0x0  }
0x56: {  	s29 =	simm.s32 @!p1 $0x200;
	[sflag:s26] =	ssyncadd.s32 @!p1 $0xFFFF8000;
	s26 =	simm.s32 @!p1 $0x80  }
0x57: {  	[tilespmem:s29], [sflag:$0x1] =	stream.indirect.gather @!p1 [hbm4b:s1+s26], $0x80, s28, s26, $0xb8;
	[tilespmem:$0x10200] =	vst v63  }
0x58: {  	p0 =	sne.s32 s24, $0x19000;
	s28 =	simm.s32 @!p1 $0x4200  }
0x59: {  	[tilespmem:s28], [sflag:$0x1] =	stream.indirect.gather @!p1 [hbm4b:s1+s26], $0x80, s26, s26, $0xb8;
	[tilespmem:$0x10200] =	vst v63  }
.Ltmp0:
0x5a: {  	_ = 	snop;
	(pc) =	sbr.rel @p0 .LBB2_2-.Ltmp0, $4  }
0x5b: {  	s25 =	smov.u32 s21;
	_ =	swait.ge [sflag:s17], $0x4000  }
0x5c: {  	s21 =	sadd.s32 $0x2000, s21;
	s31 =	sadd.s32 s23, s8;
	[sflag:s17] =	ssyncset.done $0x0  }
0x5d: {  	s22 =	sadd.s32 $0x2000, s22;
	s28 =	sadd.s32 $0x100, s23;
	[sflag:s17] =	ssyncadd.s32 $0xFFFFC000  }
0x5e: {  	s26 =	sand.u32 $0x7FFC00, s31;
	s28 =	sand.u32 $0x300, s28;
	_ =	swait.ge [sflag:s17], $0x4000  }
0x5f: {  	s24 =	sor.u32 s26, s28;
	[sflag:s17] =	ssyncset.done $0x0  }
0x60: {  	s24 =	sshrl.u32 s24, $0x3;
	[sflag:s17] =	ssyncadd.s32 $0xFFFFC000  }
0x61: {  	[hbm4b:s25+s4] =	stream.linear.scatter [tilespmem:s15], [sflag:$0x4], $0x8000, $0x38;
	[tilespmem:$0x10200] =	vst v63  }
0x62: {  	s24 =	sadd.s32 s2, s24  }
0x63: {  	[tilespmem:s14], [sflag:$0x5] =	stream.linear.gather [hbm4b:s24+s4], $0x100, $0x38;
	[tilespmem:$0x10200] =	vst v63  }
0x64: {  	_ =	swait.ge [sflag:s10], $0x100  }
0x65: {  	p0 =	seq.s32 s23, $0x0;
	[sflag:s10] =	ssyncset.done $0x0  }
0x66: {  	s24 =	simm.s32 @!p0 $0x4;
	[sflag:s10] =	ssyncadd.s32 $0xFFFFFF00  }
0x67: {  	_ =	swait.ge @!p0 [sflag:s24], $0x8000  }
0x68: {  	[sflag:s24] =	ssyncset.done @!p0 $0x0  }
0x69: {  	s30 =	rddreg [dreg:$0x4];
	[sflag:s24] =	ssyncadd.s32 @!p0 $0xFFFF8000  }
0x6a: {  	[tilespmem:s15], [sflag:$0x2] =	stream.indirect.gather [hbm4b:s1+s11], $0x80, s14, s11, $0xb8;
	[tilespmem:$0x10200] =	vst v63  }
0x6b: {  	s31 =	rddreg [dreg:$0x5]  }
0x6c: {  	[tilespmem:s30], [sflag:$0x2] =	stream.indirect.gather [hbm4b:s1+s11], $0x80, s31, s11, $0xb8;
	[tilespmem:$0x10200] =	vst v63  }
0x6d: {  	_ =	swait.ge [sflag:s16], $0x4000  }
0x6e: {  	p0 =	seq.s32 s23, $0x18E00;
	[sflag:s16] =	ssyncset.done $0x0  }
0x6f: {  	s24 =	sadd.s32 @!p0 s23, s8;
	[sflag:s16] =	ssyncadd.s32 $0xFFFFC000  }
0x70: {  	s23 =	sxor.u32 @!p0 $0xFFFFFFFF, s23;
	s24 =	sadd.s32 @!p0 $0x200, s24;
	_ =	swait.ge [sflag:s16], $0x4000  }
0x71: {  	s23 =	sand.u32 @!p0 $0x200, s23;
	s24 =	sand.u32 @!p0 $0x7FFC00, s24;
	[sflag:s16] =	ssyncset.done $0x0  }
0x72: {  	s23 =	sor.u32 @!p0 s23, s24;
	[sflag:s16] =	ssyncadd.s32 $0xFFFFC000  }
0x73: {  	[hbm4b:s22+s4] =	stream.linear.scatter [tilespmem:s12], [sflag:$0x3], $0x8000, $0x38;
	[tilespmem:$0x10200] =	vst v63  }
0x74: {  	s22 =	sshrl.u32 @!p0 s23, $0x3  }
0x75: {  	s24 =	simm.s32 @!p0 $0x5;
	s23 =	simm.s32 @!p0 $0x0;
	s22 =	sadd.s32 @!p0 s2, s22  }
0x76: {  	[tilespmem:s23], [sflag:$0x5] =	stream.linear.gather @!p0 [hbm4b:s22+s23], $0x100, $0x38;
	[tilespmem:$0x10200] =	vst v63  }
0x77: {  	_ =	swait.ge @!p0 [sflag:s24], $0x100  }
0x78: {  	[sflag:s24] =	ssyncset.done @!p0 $0x0  }
0x79: {  	s22 =	simm.s32 @!p0 $0x3;
	[sflag:s24] =	ssyncadd.s32 @!p0 $0xFFFFFF00  }
0x7a: {  	_ =	swait.ge @!p0 [sflag:s22], $0x8000  }
0x7b: {  	[sflag:s22] =	ssyncset.done @!p0 $0x0  }
0x7c: {  	s24 =	simm.s32 @!p0 $0x200;
	[sflag:s22] =	ssyncadd.s32 @!p0 $0xFFFF8000;
	s22 =	simm.s32 @!p0 $0x80  }
0x7d: {  	[tilespmem:s24], [sflag:$0x1] =	stream.indirect.gather @!p0 [hbm4b:s1+s22], $0x80, s23, s22, $0xb8;
	[tilespmem:$0x10200] =	vst v63  }
0x7e: {  	s23 =	simm.s32 @!p0 $0x4200  }
0x7f: {  	[tilespmem:s23], [sflag:$0x1] =	stream.indirect.gather @!p0 [hbm4b:s1+s22], $0x80, s22, s22, $0xb8;
	[tilespmem:$0x10200] =	vst v63  }
0x80: {  	_ =	swait.ge [sflag:s17], $0x4000  }
0x81: {  	[sflag:s17] =	ssyncset.done $0x0  }
0x82: {  	[sflag:s17] =	ssyncadd.s32 $0xFFFFC000  }
0x83: {  	_ =	swait.ge [sflag:s17], $0x4000  }
0x84: {  	[sflag:s17] =	ssyncset.done $0x0  }
0x85: {  	s20 =	sadd.s32 $0x1, s20;
	[sflag:s17] =	ssyncadd.s32 $0xFFFFC000  }
0x86: {  	[hbm4b:s21+s4] =	stream.linear.scatter [tilespmem:s15], [sflag:$0x4], $0x8000, $0x38;
	[tilespmem:$0x10200] =	vst v63  }
0x87: {  	p0 =	sne.s32 s20, s6;
	_ =	swait.ge [sflag:s18], $0x8000  }
.Ltmp1:
0x88: {  	[sflag:s18] =	ssyncset.done $0x0;
	(pc) =	sbr.rel @p0 .LBB2_1-.Ltmp1, $4  }
0x89: {  	[sflag:s18] =	ssyncadd.s32 $0xFFFF8000  }
0x8a: {  	_ =	swait.ge [sflag:s19], $0x8000  }
0x8b: {  	[sflag:s19] =	ssyncset.done $0x0  }
0x8c: {  	[sflag:s19] =	ssyncadd.s32 $0xFFFF8000  }
0x8d: {  	_ =	sfence.sel $0x180000  }
0x8e: {  	[bflag:$0x0] =	sbarrier.arrive $0xFFFF  }
0x8f: {  	p0 =	sne.s32 s3, $0x0;
	_ =	strace $0x90000047  }
0x90: {  	s0 =	sadd.s32 @!p0 $0x100000, s0;
	[bflag:$0x2] =	sbarrier.arrive $0xFFFF  }
0x91: {  	[sflag:s0] =	ssyncadd.tile.s32 @!p0 $0x1;
	_ =	shalt  }
.Lfunc_end2:
_tile_overlayer_lowered:
.L_overlay_start_2:
0x92: {  	(tag) =	ssettag $0x2  }
0x93: {  	s0 =	rddreg [dreg:$0x0];
	s2 =	stileid.u32  }
0x94: {  	s1 =	rddreg [dreg:$0x1];
	p0 =	sne.s32 s2, $0x0  }
0x95: {  	s3 =	rddreg [dreg:$0x2];
	[bflag:$0x3] =	sbarrier.arrive $0xFFFF;
	s2 =	simm.s32 @!p0 $0x1C05  }
0x96: {  	[timem:s3], [sflag:s2] =	dma.local @!p0 [hbm:s0], s1  }
0x97: {  	s0 =	simm.s32 @!p0 $0x5  }
0x98: {  	_ =	swait.ge @!p0 [sflag:s0], s1  }
0x99: {  	s1 =	ssub.s32 @!p0 $0x0, s1;
	[sflag:s0] =	ssyncset.done @!p0 $0x0  }
0x9a: {  	[sflag:s0] =	ssyncadd.s32 @!p0 s1  }
0x9b: {  	[bflag:$0x3] =	sbarrier.arrive $0xFFFF  }
0x9c: {  	_ =	shalt  }

</sc_bundles>
